<compile_context>
chip_gen: v7x
topology: tpu7x:2x2x1
jax: 0.10.2.dev20260603
libtpu: 0.0.44.dev20260713+nightly
codegen_flags: <defaults>
</compile_context>

<pallas_src>
import functools

import jax
import jax.numpy as jnp
from jax import lax
from jax.experimental import pallas as pl
from jax.experimental.pallas import tpu as pltpu
from jax.experimental.pallas import tpu_sc as plsc

_NC = 2
_NS = 16
_NW = _NC * _NS
_LANES = 16
_CH = 128


def _flat_worker_id():
    return lax.axis_index("c") * _NS + lax.axis_index("s")


@functools.partial(jax.jit, static_argnames=("n", "e", "rb"))
def _degree_partials(e2, *, n, e, rb):
    nchunk_tot = e // _CH
    nchunk = nchunk_tot // _NW
    nextra = nchunk_tot - nchunk * _NW
    nb = n // rb
    mesh = plsc.VectorSubcoreMesh(core_axis_name="c", subcore_axis_name="s")

    @functools.partial(
        pl.kernel,
        out_type=jax.ShapeDtypeStruct((nb, _NW, rb), jnp.float32),
        mesh=mesh,
        scratch_types=[
            pltpu.VMEM((nchunk, _CH), jnp.int32),
            pltpu.VMEM((1, _CH), jnp.int32),
            pltpu.VMEM((n,), jnp.float32),
        ],
        compiler_params=pltpu.CompilerParams(
            needs_layout_passes=False, use_tc_tiling_on_sc=False),
    )
    def deg_kernel(e2_hbm, out_hbm, idx_v, ex_v, acc_v):
        wid = _flat_worker_id()
        pltpu.sync_copy(e2_hbm.at[1, pl.ds(wid * nchunk, nchunk)], idx_v)

        @pl.when(wid < nextra)
        def _():
            pltpu.sync_copy(e2_hbm.at[1, pl.ds(nchunk * _NW + wid, 1)], ex_v)

        zeros = jnp.zeros((_LANES,), jnp.float32)

        def zero_body(i, _):
            acc_v[pl.ds(i * _LANES, _LANES)] = zeros
            return 0

        lax.fori_loop(0, n // _LANES, zero_body, 0)
        ones = jnp.ones((_LANES,), jnp.float32)

        def hist_body(i, _):
            for j in range(_CH // _LANES):
                idx = idx_v[i, pl.ds(j * _LANES, _LANES)]
                plsc.addupdate_scatter(acc_v, [idx], ones)
            return 0

        lax.fori_loop(0, nchunk, hist_body, 0)

        @pl.when(wid < nextra)
        def _():
            for j in range(_CH // _LANES):
                idx = ex_v[0, pl.ds(j * _LANES, _LANES)]
                plsc.addupdate_scatter(acc_v, [idx], ones)

        for blk in range(nb):
            pltpu.sync_copy(acc_v.at[pl.ds(blk * rb, rb)],
                            out_hbm.at[blk, wid])

    return deg_kernel(e2)


@functools.partial(jax.jit, static_argnames=("n", "f", "e"))
def _edge_aggregate(y, e2, *, n, f, e):
    nchunk_tot = e // _CH
    nchunk = nchunk_tot // _NW
    nextra = nchunk_tot - nchunk * _NW
    rpt = n // _NS
    mesh = plsc.VectorSubcoreMesh(core_axis_name="c", subcore_axis_name="s")

    @functools.partial(
        pl.kernel,
        out_type=jax.ShapeDtypeStruct((n, 128), jnp.float32),
        mesh=mesh,
        scratch_types=[
            pltpu.VMEM((nchunk, _CH), jnp.int32),
            pltpu.VMEM((nchunk, _CH), jnp.int32),
            pltpu.VMEM((1, _CH), jnp.int32),
            pltpu.VMEM((1, _CH), jnp.int32),
            pltpu.VMEM((_CH, f), jnp.float32),
            pltpu.VMEM((_CH, f), jnp.float32),
            pltpu.VMEM_SHARED((n, f), jnp.float32),
            pltpu.SemaphoreType.DMA,
            pltpu.SemaphoreType.DMA,
        ],
        compiler_params=pltpu.CompilerParams(use_tc_tiling_on_sc=False),
    )
    def agg_kernel(y_hbm, e2_hbm, out_hbm, src_v, dst_v, exs_v, exd_v,
                   rows0_v, rows1_v, acc_sh, sem0, sem1):
        cid = lax.axis_index("c")
        sid = lax.axis_index("s")
        wid = cid * _NS + sid
        pltpu.sync_copy(e2_hbm.at[0, pl.ds(wid * nchunk, nchunk)], src_v)
        pltpu.sync_copy(e2_hbm.at[1, pl.ds(wid * nchunk, nchunk)], dst_v)

        @pl.when(wid < nextra)
        def _():
            pltpu.sync_copy(e2_hbm.at[0, pl.ds(nchunk * _NW + wid, 1)], exs_v)
            pltpu.sync_copy(e2_hbm.at[1, pl.ds(nchunk * _NW + wid, 1)], exd_v)

        zeros = jnp.zeros((_LANES,), jnp.float32)

        def zero_body(i, _):
            for j in range(f // _LANES):
                rows0_v[i, pl.ds(j * _LANES, _LANES)] = zeros
            return 0

        lax.fori_loop(0, _CH, zero_body, 0)
        nfull, tail = rpt // _CH, rpt % _CH
        for k in range(nfull):
            pltpu.sync_copy(rows0_v,
                            acc_sh.at[pl.ds(sid * rpt + k * _CH, _CH)])
        if tail:
            pltpu.sync_copy(rows0_v.at[pl.ds(0, tail)],
                            acc_sh.at[pl.ds(sid * rpt + nfull * _CH, tail)])
        plsc.subcore_barrier()

        pltpu.async_copy(y_hbm.at[src_v.at[0]], rows0_v, sem0)

        def edge_body(jj, _):
            j0 = jj * 2
            pltpu.async_copy(y_hbm.at[src_v.at[j0 + 1]], rows1_v, sem1)
            pltpu.make_async_copy(y_hbm.at[src_v.at[j0]], rows0_v,
                                  sem0).wait()
            pltpu.sync_copy(rows0_v, acc_sh.at[dst_v.at[j0]], add=True)

            @pl.when(jj < nchunk // 2 - 1)
            def _():
                pltpu.async_copy(y_hbm.at[src_v.at[j0 + 2]], rows0_v, sem0)

            pltpu.make_async_copy(y_hbm.at[src_v.at[j0 + 1]], rows1_v,
                                  sem1).wait()
            pltpu.sync_copy(rows1_v, acc_sh.at[dst_v.at[j0 + 1]], add=True)
            return 0

        lax.fori_loop(0, nchunk // 2, edge_body, 0)

        @pl.when(wid < nextra)
        def _():
            pltpu.async_copy(y_hbm.at[exs_v.at[0]], rows0_v, sem0).wait()
            pltpu.sync_copy(rows0_v, acc_sh.at[exd_v.at[0]], add=True)

        plsc.subcore_barrier()
        pltpu.sync_copy(acc_sh.at[pl.ds(sid * rpt, rpt)],
                        out_hbm.at[pl.ds(sid * rpt, rpt), pl.ds(cid * f, f)])

    return agg_kernel(y, e2)


def _dis_from(degp_ref):
    deg = jnp.sum(degp_ref[0], axis=0) + 1.0
    return lax.rsqrt(deg)[:, None]


@functools.partial(jax.jit, static_argnames=("rb",))
def _tc_stage0(x, W1, ri2, W2b, *, rb):
    n, d = x.shape
    h = W1.shape[1]
    b = ri2.shape[0]
    nb = n // rb

    def body(x_ref, w1_ref, ri_ref, w2b_ref, xw_ref, r2_ref, rv_acc):
        i = pl.program_id(0)
        xb = x_ref[...]
        xw_ref[...] = jnp.dot(xb, w1_ref[...],
                              preferred_element_type=jnp.float32)
        gidx = i * rb + lax.broadcasted_iota(jnp.int32, (b, rb), 1)
        rsel = (ri_ref[...] == gidx).astype(jnp.float32)

        @pl.when(i == 0)
        def _():
            rv_acc[...] = jnp.zeros_like(rv_acc)

        rv_acc[...] += jnp.dot(rsel, xb, preferred_element_type=jnp.float32)

        @pl.when(i == nb - 1)
        def _():
            r2_ref[...] = jnp.dot(jnp.maximum(rv_acc[...], 0.0),
                                  w2b_ref[...],
                                  preferred_element_type=jnp.float32)

    return pl.pallas_call(
        body,
        grid=(nb,),
        in_specs=[
            pl.BlockSpec((rb, d), lambda i: (i, 0)),
            pl.BlockSpec((d, h), lambda i: (0, 0)),
            pl.BlockSpec((b, 1), lambda i: (0, 0)),
            pl.BlockSpec((d, h), lambda i: (0, 0)),
        ],
        out_specs=[
            pl.BlockSpec((rb, h), lambda i: (i, 0)),
            pl.BlockSpec((b, h), lambda i: (0, 0)),
        ],
        out_shape=[
            jax.ShapeDtypeStruct((n, h), jnp.float32),
            jax.ShapeDtypeStruct((b, h), jnp.float32),
        ],
        scratch_shapes=[pltpu.VMEM((b, d), jnp.float32)],
    )(x, W1, ri2, W2b)


@functools.partial(jax.jit, static_argnames=("rb",))
def _tc_stage1(degp, xw, *, rb):
    n, h = xw.shape
    nb = n // rb

    def body(degp_ref, xw_ref, y1_ref):
        dis = _dis_from(degp_ref)
        y1_ref[...] = dis * xw_ref[...]

    return pl.pallas_call(
        body,
        grid=(nb,),
        in_specs=[
            pl.BlockSpec((1, _NW, rb), lambda i: (i, 0, 0)),
            pl.BlockSpec((rb, h), lambda i: (i, 0)),
        ],
        out_specs=pl.BlockSpec((rb, h), lambda i: (i, 0)),
        out_shape=jax.ShapeDtypeStruct((n, h), jnp.float32),
    )(degp, xw)


@functools.partial(jax.jit, static_argnames=("rb", "h"))
def _tc_stage2(S1, degp, y1f, W2t, R2, bt3, b1r, *, rb, h):
    n = S1.shape[0]
    o = W2t.shape[1]
    b = R2.shape[0]
    nb = n // rb

    def body(s1_ref, degp_ref, y1_ref, w2t_ref, r2_ref, bt_ref, b1_ref,
             y2_ref):
        dis = _dis_from(degp_ref)
        sp = s1_ref[...]
        y1 = y1_ref[...]
        x2 = dis * (sp[:, :h] + sp[:, h:] + y1) + b1_ref[...]
        r = jnp.maximum(x2, 0.0)
        bt = bt_ref[0, 0, :]
        onehot = (bt[:, None]
                  == lax.broadcasted_iota(jnp.int32, (rb, b), 1)
                  ).astype(jnp.float32)
        hw2 = (jnp.dot(r, w2t_ref[...], preferred_element_type=jnp.float32)
               + jnp.dot(onehot, r2_ref[...],
                         preferred_element_type=jnp.float32))
        y2_ref[...] = dis * hw2

    return pl.pallas_call(
        body,
        grid=(nb,),
        in_specs=[
            pl.BlockSpec((rb, 128), lambda i: (i, 0)),
            pl.BlockSpec((1, _NW, rb), lambda i: (i, 0, 0)),
            pl.BlockSpec((rb, h), lambda i: (i, 0)),
            pl.BlockSpec((h, o), lambda i: (0, 0)),
            pl.BlockSpec((b, o), lambda i: (0, 0)),
            pl.BlockSpec((1, 1, rb), lambda i: (i, 0, 0)),
            pl.BlockSpec((1, h), lambda i: (0, 0)),
        ],
        out_specs=pl.BlockSpec((rb, o), lambda i: (i, 0)),
        out_shape=jax.ShapeDtypeStruct((n, o), jnp.float32),
    )(S1, degp, y1f, W2t, R2, bt3, b1r)


@functools.partial(jax.jit, static_argnames=("rb", "h"))
def _tc_stage3a(S1, degp, y1f, b1r, bt3, ri2, *, rb, h):
    n = S1.shape[0]
    b = ri2.shape[0]
    nb = n // rb

    def body(s1_ref, degp_ref, y1_ref, b1_ref, bt_ref, ri_ref, x2r_ref,
             cnt_ref):
        i = pl.program_id(0)
        dis = _dis_from(degp_ref)
        sp = s1_ref[...]
        y1 = y1_ref[...]
        x2 = dis * (sp[:, :h] + sp[:, h:] + y1) + b1_ref[...]
        bt = bt_ref[0, 0, :]
        onehot_t = (lax.broadcasted_iota(jnp.int32, (b, rb), 0)
                    == bt[None, :]).astype(jnp.float32)
        gidx = i * rb + lax.broadcasted_iota(jnp.int32, (b, rb), 1)
        rsel = (ri_ref[...] == gidx).astype(jnp.float32)

        @pl.when(i == 0)
        def _():
            x2r_ref[...] = jnp.zeros_like(x2r_ref)
            cnt_ref[...] = jnp.zeros_like(cnt_ref)

        x2r_ref[...] += jnp.dot(rsel, x2,
                                preferred_element_type=jnp.float32)
        cnt_ref[...] += jnp.sum(onehot_t, axis=1, keepdims=True)

    return pl.pallas_call(
        body,
        grid=(nb,),
        in_specs=[
            pl.BlockSpec((rb, 128), lambda i: (i, 0)),
            pl.BlockSpec((1, _NW, rb), lambda i: (i, 0, 0)),
            pl.BlockSpec((rb, h), lambda i: (i, 0)),
            pl.BlockSpec((1, h), lambda i: (0, 0)),
            pl.BlockSpec((1, 1, rb), lambda i: (i, 0, 0)),
            pl.BlockSpec((b, 1), lambda i: (0, 0)),
        ],
        out_specs=[
            pl.BlockSpec((b, h), lambda i: (0, 0)),
            pl.BlockSpec((b, 1), lambda i: (0, 0)),
        ],
        out_shape=[
            jax.ShapeDtypeStruct((b, h), jnp.float32),
            jax.ShapeDtypeStruct((b, 1), jnp.float32),
        ],
    )(S1, degp, y1f, b1r, bt3, ri2)


@functools.partial(jax.jit, static_argnames=("rb", "o"))
def _tc_stage3b(S2, degp, y2f, bt3, x2r, cnt, b2r, *, rb, o):
    n = S2.shape[0]
    b = x2r.shape[0]
    h = x2r.shape[1]
    nb = n // rb

    def body(s2_ref, degp_ref, y2_ref, bt_ref, x2r_ref, cnt_ref, b2_ref,
             out_ref, sums_acc):
        i = pl.program_id(0)
        dis = _dis_from(degp_ref)
        sp = s2_ref[...]
        y2 = y2_ref[...]
        g = jnp.maximum(
            dis * (sp[:, :o] + sp[:, o:] + y2) + b2_ref[...], 0.0)
        bt = bt_ref[0, 0, :]
        onehot_t = (lax.broadcasted_iota(jnp.int32, (b, rb), 0)
                    == bt[None, :]).astype(jnp.float32)

        @pl.when(i == 0)
        def _():
            sums_acc[...] = jnp.zeros_like(sums_acc)

        sums_acc[...] += jnp.dot(onehot_t, g,
                                 preferred_element_type=jnp.float32)

        @pl.when(i == nb - 1)
        def _():
            c = cnt_ref[...]
            mean = sums_acc[...] / jnp.maximum(c, 1.0)
            right = x2r_ref[...] * (c > 0.0).astype(jnp.float32)
            out_ref[...] = jnp.concatenate([mean, right], axis=1)

    return pl.pallas_call(
        body,
        grid=(nb,),
        in_specs=[
            pl.BlockSpec((rb, 128), lambda i: (i, 0)),
            pl.BlockSpec((1, _NW, rb), lambda i: (i, 0, 0)),
            pl.BlockSpec((rb, o), lambda i: (i, 0)),
            pl.BlockSpec((1, 1, rb), lambda i: (i, 0, 0)),
            pl.BlockSpec((b, h), lambda i: (0, 0)),
            pl.BlockSpec((b, 1), lambda i: (0, 0)),
            pl.BlockSpec((1, o), lambda i: (0, 0)),
        ],
        out_specs=pl.BlockSpec((b, o + h), lambda i: (0, 0)),
        out_shape=jax.ShapeDtypeStruct((b, o + h), jnp.float32),
        scratch_shapes=[pltpu.VMEM((b, o), jnp.float32)],
    )(S2, degp, y2f, bt3, x2r, cnt, b2r)


def kernel(x, edge_index, root_index, batch, W1, b1, W2, b2):
    n, d = x.shape
    e = edge_index.shape[1]
    h = W1.shape[1]
    o = W2.shape[1]
    b = root_index.shape[0]
    rb = 2000

    e2 = edge_index.astype(jnp.int32).reshape(2, e // _CH, _CH)
    bt3 = batch.astype(jnp.int32).reshape(n // rb, 1, rb)
    ri2 = root_index.astype(jnp.int32).reshape(b, 1)
    b1r = b1.reshape(1, h)
    b2r = b2.reshape(1, o)
    W2t = W2[:h]
    W2b = W2[h:]

    degp = _degree_partials(e2, n=n, e=e, rb=rb)
    xw, R2 = _tc_stage0(x, W1, ri2, W2b, rb=rb)
    y1 = _tc_stage1(degp, xw, rb=rb)
    S1 = _edge_aggregate(y1, e2, n=n, f=h, e=e)
    y2 = _tc_stage2(S1, degp, y1, W2t, R2, bt3, b1r, rb=rb, h=h)
    S2 = _edge_aggregate(y2, e2, n=n, f=o, e=e)
    x2r, cnt = _tc_stage3a(S1, degp, y1, b1r, bt3, ri2, rb=rb, h=h)
    return _tc_stage3b(S2, degp, y2, bt3, x2r, cnt, b2r, rb=rb, o=o)

# --- scband reference (transcript-rebuilt; emitter-appended) ---
"""Pipeline reference for scband-tdrumor-gcn-22643067584840 (READ-ONLY COPY).

The authoritative reference and input builder live on the scoring server;
editing this copy changes nothing except your own understanding.
"""

import jax, jax.numpy as jnp
import numpy as np

N = 10000
E = 320000
D = 128
H = 64
O = 64
B = 128


def setup_inputs(seed: int = 0) -> dict:
    key = jax.random.key(seed)
    k1, k2, k3, k4, k5, k6, k7, k8 = jax.random.split(key, 8)
    x = jax.random.normal(k1, (N, D), dtype=jnp.float32)
    edge_index = jax.random.randint(k2, (2, E), 0, N, dtype=jnp.int64)
    root_index = jax.random.randint(k3, (B,), 0, N, dtype=jnp.int64)
    batch = jnp.sort(jax.random.randint(k4, (N,), 0, B, dtype=jnp.int64))
    # GCNConv parameters (PyG-style: weight [in, out], bias [out]); xavier-normal-ish scale
    W1 = jax.random.normal(k5, (D, H), dtype=jnp.float32) * (2.0 / (D + H)) ** 0.5
    b1 = jnp.zeros((H,), dtype=jnp.float32)
    W2 = jax.random.normal(k6, (H + D, O), dtype=jnp.float32) * (2.0 / (H + D + O)) ** 0.5
    b2 = jnp.zeros((O,), dtype=jnp.float32)
    return {"x": x, "edge_index": edge_index, "root_index": root_index, "batch": batch,
            "W1": W1, "b1": b1, "W2": W2, "b2": b2}


def _gcn_conv(x, edge_index, W, b):
    # PyG GCNConv: add self-loops, symmetric normalization, scatter-add aggregation
    n = x.shape[0]
    loop = jnp.arange(n, dtype=edge_index.dtype)
    src = jnp.concatenate([edge_index[0], loop])
    dst = jnp.concatenate([edge_index[1], loop])
    deg = jnp.zeros((n,), dtype=x.dtype).at[dst].add(jnp.ones_like(src, dtype=x.dtype))
    deg_inv_sqrt = deg ** -0.5  # deg >= 1 due to self-loops
    norm = deg_inv_sqrt[src] * deg_inv_sqrt[dst]
    xw = x @ W
    out = jnp.zeros((n, W.shape[1]), dtype=x.dtype).at[dst].add(norm[:, None] * xw[src])
    return out + b


def reference(x, edge_index, root_index, batch, W1, b1, W2, b2):
    x1 = x
    h = _gcn_conv(x, edge_index, W1, b1)
    x2 = h
    # root_extend[i] = x1[root_index[batch[i]]]  (the per-batch loop in torch)
    root_extend = x1[root_index[batch]]
    h = jnp.concatenate([h, root_extend], axis=1)
    h = jax.nn.relu(h)
    # dropout is identity in eval mode
    h = _gcn_conv(h, edge_index, W2, b2)
    h = jax.nn.relu(h)
    root_extend2 = x2[root_index[batch]]
    h = jnp.concatenate([h, root_extend2], axis=1)
    # scatter_mean over batch
    sums = jax.ops.segment_sum(h, batch, num_segments=B)
    counts = jax.ops.segment_sum(jnp.ones((h.shape[0],), dtype=h.dtype), batch, num_segments=B)
    x_mean = sums / jnp.clip(counts, 1.0)[:, None]
    return x_mean

if __name__ == "__main__":
    import jax
    _d = setup_inputs()
    print(jax.jit(kernel)(*tuple(_d.values())))

</pallas_src>

<mosaic_0001>
#map = affine_map<(d0, d1) -> (0, 0, 0)>
module attributes {stable_mosaic.version = 14 : i64} {
  func.func @deg_kernel(%arg0: i32, %arg1: i32, %arg2: memref<2x2500x128xi32, #tpu.memory_space<hbm>>, %arg3: memref<5x32x2000xf32, #tpu.memory_space<hbm>>, %arg4: memref<78x128xi32, #tpu.memory_space<vmem>>, %arg5: memref<1x128xi32, #tpu.memory_space<vmem>>, %arg6: memref<10000xf32, #tpu.memory_space<vmem>>) attributes {dimension_semantics = [#tpu.dimension_semantics<core_parallel>, #tpu.dimension_semantics<subcore_parallel>], iteration_bounds = array<i64: 2, 16>, scalar_prefetch = 0 : i64, scratch_operands = 3 : i64, tpu.core_type = #tpu.core_type<sc_vector_subcore>, window_params = [{transform_indices = #map}, {transform_indices = #map}]} {
    %mul3A = arith.constant 16 : i32
    %mul3A_0 = arith.muli %arg0, %mul3A : i32
    %add3A = arith.addi %mul3A_0, %arg1 : i32
    %mul3A_1 = arith.constant 78 : i32
    %mul3A_2 = arith.muli %add3A, %mul3A_1 : i32
    %run_scoped3A = arith.constant 1 : i32
    "tpu.region"() ({
      %run_scoped3A_31 = tpu.sem_alloc : memref<!tpu.dma_semaphore, #tpu.memory_space<semaphore_mem>>
      %dma_start3A = arith.constant 0 : i32
      %dma_start3A_32 = tpu.memref_slice %arg2[%run_scoped3A, %mul3A_2, %dma_start3A] : memref<2x2500x128xi32, #tpu.memory_space<hbm>> -> memref<1x78x128xi32, #tpu.memory_space<hbm>>
      %dma_start3A_33 = tpu.memref_squeeze %dma_start3A_32 : memref<1x78x128xi32, #tpu.memory_space<hbm>> -> memref<78x128xi32, #tpu.memory_space<hbm>>
      %dma_start3A_34 = arith.constant 0 : i32
      %dma_start3A_35 = tpu.memref_slice %arg2[%run_scoped3A, %mul3A_2, %dma_start3A_34] : memref<2x2500x128xi32, #tpu.memory_space<hbm>> -> memref<1x78x128xi32, #tpu.memory_space<hbm>>
      %dma_start3A_36 = tpu.memref_squeeze %dma_start3A_35 : memref<1x78x128xi32, #tpu.memory_space<hbm>> -> memref<78x128xi32, #tpu.memory_space<hbm>>
      tpu.enqueue_dma source(%dma_start3A_36 : memref<78x128xi32, #tpu.memory_space<hbm>>) target(%arg4 : memref<78x128xi32, #tpu.memory_space<vmem>>) target_semaphore(%run_scoped3A_31 : memref<!tpu.dma_semaphore, #tpu.memory_space<semaphore_mem>>)
      %dma_wait3A = arith.constant 0 : i32
      %dma_wait3A_37 = tpu.memref_slice %arg2[%run_scoped3A, %mul3A_2, %dma_wait3A] : memref<2x2500x128xi32, #tpu.memory_space<hbm>> -> memref<1x78x128xi32, #tpu.memory_space<hbm>>
      %dma_wait3A_38 = tpu.memref_squeeze %dma_wait3A_37 : memref<1x78x128xi32, #tpu.memory_space<hbm>> -> memref<78x128xi32, #tpu.memory_space<hbm>>
      %dma_wait3A_39 = arith.constant 0 : i32
      %dma_wait3A_40 = tpu.memref_slice %arg2[%run_scoped3A, %mul3A_2, %dma_wait3A_39] : memref<2x2500x128xi32, #tpu.memory_space<hbm>> -> memref<1x78x128xi32, #tpu.memory_space<hbm>>
      %dma_wait3A_41 = tpu.memref_squeeze %dma_wait3A_40 : memref<1x78x128xi32, #tpu.memory_space<hbm>> -> memref<78x128xi32, #tpu.memory_space<hbm>>
      tpu.wait_dma2 semaphore(%run_scoped3A_31 : memref<!tpu.dma_semaphore, #tpu.memory_space<semaphore_mem>>) src(%dma_wait3A_41 : memref<78x128xi32, #tpu.memory_space<hbm>>) dst(%arg4 : memref<78x128xi32, #tpu.memory_space<vmem>>)
      tpu.yield
    }) : () -> ()
    %lt3A = arith.constant 4 : i32
    %lt3A_3 = arith.cmpi slt, %add3A, %lt3A : i32
    %convert_element_type3A = arith.extui %lt3A_3 : i1 to i32
    %cond3A = arith.constant 0 : i32
    %cond3A_4 = arith.cmpi ne, %convert_element_type3A, %cond3A : i32
    scf.if %cond3A_4 {
      %add3A_31 = arith.constant 2496 : i32
      %add3A_32 = arith.addi %add3A_31, %add3A : i32
      %run_scoped3A_33 = arith.constant 1 : i32
      "tpu.region"() ({
        %run_scoped3A_34 = tpu.sem_alloc : memref<!tpu.dma_semaphore, #tpu.memory_space<semaphore_mem>>
        %dma_start3A = arith.constant 0 : i32
        %dma_start3A_35 = tpu.memref_slice %arg2[%run_scoped3A_33, %add3A_32, %dma_start3A] : memref<2x2500x128xi32, #tpu.memory_space<hbm>> -> memref<1x1x128xi32, #tpu.memory_space<hbm>>
        %dma_start3A_36 = tpu.memref_squeeze %dma_start3A_35 : memref<1x1x128xi32, #tpu.memory_space<hbm>> -> memref<1x128xi32, #tpu.memory_space<hbm>>
        %dma_start3A_37 = arith.constant 0 : i32
        %dma_start3A_38 = tpu.memref_slice %arg2[%run_scoped3A_33, %add3A_32, %dma_start3A_37] : memref<2x2500x128xi32, #tpu.memory_space<hbm>> -> memref<1x1x128xi32, #tpu.memory_space<hbm>>
        %dma_start3A_39 = tpu.memref_squeeze %dma_start3A_38 : memref<1x1x128xi32, #tpu.memory_space<hbm>> -> memref<1x128xi32, #tpu.memory_space<hbm>>
        tpu.enqueue_dma source(%dma_start3A_39 : memref<1x128xi32, #tpu.memory_space<hbm>>) target(%arg5 : memref<1x128xi32, #tpu.memory_space<vmem>>) target_semaphore(%run_scoped3A_34 : memref<!tpu.dma_semaphore, #tpu.memory_space<semaphore_mem>>)
        %dma_wait3A = arith.constant 0 : i32
        %dma_wait3A_40 = tpu.memref_slice %arg2[%run_scoped3A_33, %add3A_32, %dma_wait3A] : memref<2x2500x128xi32, #tpu.memory_space<hbm>> -> memref<1x1x128xi32, #tpu.memory_space<hbm>>
        %dma_wait3A_41 = tpu.memref_squeeze %dma_wait3A_40 : memref<1x1x128xi32, #tpu.memory_space<hbm>> -> memref<1x128xi32, #tpu.memory_space<hbm>>
        %dma_wait3A_42 = arith.constant 0 : i32
        %dma_wait3A_43 = tpu.memref_slice %arg2[%run_scoped3A_33, %add3A_32, %dma_wait3A_42] : memref<2x2500x128xi32, #tpu.memory_space<hbm>> -> memref<1x1x128xi32, #tpu.memory_space<hbm>>
        %dma_wait3A_44 = tpu.memref_squeeze %dma_wait3A_43 : memref<1x1x128xi32, #tpu.memory_space<hbm>> -> memref<1x128xi32, #tpu.memory_space<hbm>>
        tpu.wait_dma2 semaphore(%run_scoped3A_34 : memref<!tpu.dma_semaphore, #tpu.memory_space<semaphore_mem>>) src(%dma_wait3A_44 : memref<1x128xi32, #tpu.memory_space<hbm>>) dst(%arg5 : memref<1x128xi32, #tpu.memory_space<vmem>>)
        tpu.yield
      }) : () -> ()
    } else {
    }
    %broadcast_in_dim3A = arith.constant 0.000000e+00 : f32
    %broadcast_in_dim3A_5 = vector.broadcast %broadcast_in_dim3A : f32 to vector<16xf32>
    %scan3A = arith.constant 0 : i32
    %scan3A_6 = arith.constant 0 : i32
    %scan3A_7 = arith.constant 625 : i32
    %scan3A_8 = arith.addi %scan3A_6, %scan3A_7 : i32
    %scan3A_9 = arith.constant 1 : i32
    %scan3A_10 = scf.for %scan3A_31 = %scan3A_6 to %scan3A_8 step %scan3A_9 iter_args(%scan3A_32 = %scan3A) -> (i32)  : i32 {
      %mul3A_33 = arith.constant 16 : i32
      %mul3A_34 = arith.muli %scan3A_31, %mul3A_33 : i32
      %swap3A = arith.index_cast %mul3A_34 : i32 to index
      %swap3A_35 = tpu.vector_load %arg6[%swap3A] {strides = array<i32>} : memref<10000xf32, #tpu.memory_space<vmem>>, vector<16xf32>,
      tpu.vector_store %arg6[%swap3A], %broadcast_in_dim3A_5 {strides = array<i32>} : memref<10000xf32, #tpu.memory_space<vmem>>, vector<16xf32>,
      %scan3A_36 = arith.constant 0 : i32
      scf.yield %scan3A_36 : i32
    }
    %scan3A_11 = arith.constant 625 : i32
    %broadcast_in_dim3A_12 = arith.constant 1.000000e+00 : f32
    %broadcast_in_dim3A_13 = vector.broadcast %broadcast_in_dim3A_12 : f32 to vector<16xf32>
    %scan3A_14 = arith.constant 0 : i32
    %scan3A_15 = arith.constant 0 : i32
    %scan3A_16 = arith.constant 78 : i32
    %scan3A_17 = arith.addi %scan3A_15, %scan3A_16 : i32
    %scan3A_18 = arith.constant 1 : i32
    %scan3A_19 = scf.for %scan3A_31 = %scan3A_15 to %scan3A_17 step %scan3A_18 iter_args(%scan3A_32 = %scan3A_14) -> (i32)  : i32 {
      %get3A = arith.index_cast %scan3A_31 : i32 to index
      %get3A_33 = arith.constant 0 : index
      %get3A_34 = tpu.vector_load %arg4[%get3A, %get3A_33] {strides = array<i32>} : memref<78x128xi32, #tpu.memory_space<vmem>>, vector<16xi32>,
      tpu.vector_store_idx %arg6[%get3A_34], %broadcast_in_dim3A_13 {add = true} : memref<10000xf32, #tpu.memory_space<vmem>>[vector<16xi32>], vector<16xf32>,
      %get3A_35 = arith.index_cast %scan3A_31 : i32 to index
      %get3A_36 = arith.constant 16 : index
      %get3A_37 = tpu.vector_load %arg4[%get3A_35, %get3A_36] {strides = array<i32>} : memref<78x128xi32, #tpu.memory_space<vmem>>, vector<16xi32>,
      tpu.vector_store_idx %arg6[%get3A_37], %broadcast_in_dim3A_13 {add = true} : memref<10000xf32, #tpu.memory_space<vmem>>[vector<16xi32>], vector<16xf32>,
      %get3A_38 = arith.index_cast %scan3A_31 : i32 to index
      %get3A_39 = arith.constant 32 : index
      %get3A_40 = tpu.vector_load %arg4[%get3A_38, %get3A_39] {strides = array<i32>} : memref<78x128xi32, #tpu.memory_space<vmem>>, vector<16xi32>,
      tpu.vector_store_idx %arg6[%get3A_40], %broadcast_in_dim3A_13 {add = true} : memref<10000xf32, #tpu.memory_space<vmem>>[vector<16xi32>], vector<16xf32>,
      %get3A_41 = arith.index_cast %scan3A_31 : i32 to index
      %get3A_42 = arith.constant 48 : index
      %get3A_43 = tpu.vector_load %arg4[%get3A_41, %get3A_42] {strides = array<i32>} : memref<78x128xi32, #tpu.memory_space<vmem>>, vector<16xi32>,
      tpu.vector_store_idx %arg6[%get3A_43], %broadcast_in_dim3A_13 {add = true} : memref<10000xf32, #tpu.memory_space<vmem>>[vector<16xi32>], vector<16xf32>,
      %get3A_44 = arith.index_cast %scan3A_31 : i32 to index
      %get3A_45 = arith.constant 64 : index
      %get3A_46 = tpu.vector_load %arg4[%get3A_44, %get3A_45] {strides = array<i32>} : memref<78x128xi32, #tpu.memory_space<vmem>>, vector<16xi32>,
      tpu.vector_store_idx %arg6[%get3A_46], %broadcast_in_dim3A_13 {add = true} : memref<10000xf32, #tpu.memory_space<vmem>>[vector<16xi32>], vector<16xf32>,
      %get3A_47 = arith.index_cast %scan3A_31 : i32 to index
      %get3A_48 = arith.constant 80 : index
      %get3A_49 = tpu.vector_load %arg4[%get3A_47, %get3A_48] {strides = array<i32>} : memref<78x128xi32, #tpu.memory_space<vmem>>, vector<16xi32>,
      tpu.vector_store_idx %arg6[%get3A_49], %broadcast_in_dim3A_13 {add = true} : memref<10000xf32, #tpu.memory_space<vmem>>[vector<16xi32>], vector<16xf32>,
      %get3A_50 = arith.index_cast %scan3A_31 : i32 to index
      %get3A_51 = arith.constant 96 : index
      %get3A_52 = tpu.vector_load %arg4[%get3A_50, %get3A_51] {strides = array<i32>} : memref<78x128xi32, #tpu.memory_space<vmem>>, vector<16xi32>,
      tpu.vector_store_idx %arg6[%get3A_52], %broadcast_in_dim3A_13 {add = true} : memref<10000xf32, #tpu.memory_space<vmem>>[vector<16xi32>], vector<16xf32>,
      %get3A_53 = arith.index_cast %scan3A_31 : i32 to index
      %get3A_54 = arith.constant 112 : index
      %get3A_55 = tpu.vector_load %arg4[%get3A_53, %get3A_54] {strides = array<i32>} : memref<78x128xi32, #tpu.memory_space<vmem>>, vector<16xi32>,
      tpu.vector_store_idx %arg6[%get3A_55], %broadcast_in_dim3A_13 {add = true} : memref<10000xf32, #tpu.memory_space<vmem>>[vector<16xi32>], vector<16xf32>,
      %scan3A_56 = arith.constant 0 : i32
      scf.yield %scan3A_56 : i32
    }
    %scan3A_20 = arith.constant 78 : i32
    %lt3A_21 = arith.constant 4 : i32
    %lt3A_22 = arith.cmpi slt, %add3A, %lt3A_21 : i32
    %convert_element_type3A_23 = arith.extui %lt3A_22 : i1 to i32
    %cond3A_24 = arith.constant 0 : i32
    %cond3A_25 = arith.cmpi ne, %convert_element_type3A_23, %cond3A_24 : i32
    scf.if %cond3A_25 {
      %get3A = arith.constant 0 : i32
      %get3A_31 = arith.index_cast %get3A : i32 to index
      %get3A_32 = arith.constant 0 : index
      %get3A_33 = tpu.vector_load %arg5[%get3A_31, %get3A_32] {strides = array<i32>} : memref<1x128xi32, #tpu.memory_space<vmem>>, vector<16xi32>,
      tpu.vector_store_idx %arg6[%get3A_33], %broadcast_in_dim3A_13 {add = true} : memref<10000xf32, #tpu.memory_space<vmem>>[vector<16xi32>], vector<16xf32>,
      %get3A_34 = arith.constant 0 : i32
      %get3A_35 = arith.index_cast %get3A_34 : i32 to index
      %get3A_36 = arith.constant 16 : index
      %get3A_37 = tpu.vector_load %arg5[%get3A_35, %get3A_36] {strides = array<i32>} : memref<1x128xi32, #tpu.memory_space<vmem>>, vector<16xi32>,
      tpu.vector_store_idx %arg6[%get3A_37], %broadcast_in_dim3A_13 {add = true} : memref<10000xf32, #tpu.memory_space<vmem>>[vector<16xi32>], vector<16xf32>,
      %get3A_38 = arith.constant 0 : i32
      %get3A_39 = arith.index_cast %get3A_38 : i32 to index
      %get3A_40 = arith.constant 32 : index
      %get3A_41 = tpu.vector_load %arg5[%get3A_39, %get3A_40] {strides = array<i32>} : memref<1x128xi32, #tpu.memory_space<vmem>>, vector<16xi32>,
      tpu.vector_store_idx %arg6[%get3A_41], %broadcast_in_dim3A_13 {add = true} : memref<10000xf32, #tpu.memory_space<vmem>>[vector<16xi32>], vector<16xf32>,
      %get3A_42 = arith.constant 0 : i32
      %get3A_43 = arith.index_cast %get3A_42 : i32 to index
      %get3A_44 = arith.constant 48 : index
      %get3A_45 = tpu.vector_load %arg5[%get3A_43, %get3A_44] {strides = array<i32>} : memref<1x128xi32, #tpu.memory_space<vmem>>, vector<16xi32>,
      tpu.vector_store_idx %arg6[%get3A_45], %broadcast_in_dim3A_13 {add = true} : memref<10000xf32, #tpu.memory_space<vmem>>[vector<16xi32>], vector<16xf32>,
      %get3A_46 = arith.constant 0 : i32
      %get3A_47 = arith.index_cast %get3A_46 : i32 to index
      %get3A_48 = arith.constant 64 : index
      %get3A_49 = tpu.vector_load %arg5[%get3A_47, %get3A_48] {strides = array<i32>} : memref<1x128xi32, #tpu.memory_space<vmem>>, vector<16xi32>,
      tpu.vector_store_idx %arg6[%get3A_49], %broadcast_in_dim3A_13 {add = true} : memref<10000xf32, #tpu.memory_space<vmem>>[vector<16xi32>], vector<16xf32>,
      %get3A_50 = arith.constant 0 : i32
      %get3A_51 = arith.index_cast %get3A_50 : i32 to index
      %get3A_52 = arith.constant 80 : index
      %get3A_53 = tpu.vector_load %arg5[%get3A_51, %get3A_52] {strides = array<i32>} : memref<1x128xi32, #tpu.memory_space<vmem>>, vector<16xi32>,
      tpu.vector_store_idx %arg6[%get3A_53], %broadcast_in_dim3A_13 {add = true} : memref<10000xf32, #tpu.memory_space<vmem>>[vector<16xi32>], vector<16xf32>,
      %get3A_54 = arith.constant 0 : i32
      %get3A_55 = arith.index_cast %get3A_54 : i32 to index
      %get3A_56 = arith.constant 96 : index
      %get3A_57 = tpu.vector_load %arg5[%get3A_55, %get3A_56] {strides = array<i32>} : memref<1x128xi32, #tpu.memory_space<vmem>>, vector<16xi32>,
      tpu.vector_store_idx %arg6[%get3A_57], %broadcast_in_dim3A_13 {add = true} : memref<10000xf32, #tpu.memory_space<vmem>>[vector<16xi32>], vector<16xf32>,
      %get3A_58 = arith.constant 0 : i32
      %get3A_59 = arith.index_cast %get3A_58 : i32 to index
      %get3A_60 = arith.constant 112 : index
      %get3A_61 = tpu.vector_load %arg5[%get3A_59, %get3A_60] {strides = array<i32>} : memref<1x128xi32, #tpu.memory_space<vmem>>, vector<16xi32>,
      tpu.vector_store_idx %arg6[%get3A_61], %broadcast_in_dim3A_13 {add = true} : memref<10000xf32, #tpu.memory_space<vmem>>[vector<16xi32>], vector<16xf32>,
    } else {
    }
    %run_scoped3A_26 = arith.constant 0 : i32
    "tpu.region"() ({
      %run_scoped3A_31 = tpu.sem_alloc : memref<!tpu.dma_semaphore, #tpu.memory_space<semaphore_mem>>
      %dma_start3A = arith.constant 0 : i32
      %dma_start3A_32 = tpu.memref_slice %arg6[%dma_start3A] : memref<10000xf32, #tpu.memory_space<vmem>> -> memref<2000xf32, #tpu.memory_space<vmem>>
      %dma_start3A_33 = arith.constant 0 : i32
      %dma_start3A_34 = tpu.memref_slice %arg3[%run_scoped3A_26, %add3A, %dma_start3A_33] : memref<5x32x2000xf32, #tpu.memory_space<hbm>> -> memref<1x1x2000xf32, #tpu.memory_space<hbm>>
      %dma_start3A_35 = tpu.memref_squeeze %dma_start3A_34 : memref<1x1x2000xf32, #tpu.memory_space<hbm>> -> memref<2000xf32, #tpu.memory_space<hbm>>
      %dma_start3A_36 = arith.constant 0 : i32
      %dma_start3A_37 = tpu.memref_slice %arg3[%run_scoped3A_26, %add3A, %dma_start3A_36] : memref<5x32x2000xf32, #tpu.memory_space<hbm>> -> memref<1x1x2000xf32, #tpu.memory_space<hbm>>
      %dma_start3A_38 = tpu.memref_squeeze %dma_start3A_37 : memref<1x1x2000xf32, #tpu.memory_space<hbm>> -> memref<2000xf32, #tpu.memory_space<hbm>>
      %dma_start3A_39 = arith.constant 0 : i32
      %dma_start3A_40 = tpu.memref_slice %arg6[%dma_start3A_39] : memref<10000xf32, #tpu.memory_space<vmem>> -> memref<2000xf32, #tpu.memory_space<vmem>>
      tpu.enqueue_dma source(%dma_start3A_40 : memref<2000xf32, #tpu.memory_space<vmem>>) target(%dma_start3A_38 : memref<2000xf32, #tpu.memory_space<hbm>>) target_semaphore(%run_scoped3A_31 : memref<!tpu.dma_semaphore, #tpu.memory_space<semaphore_mem>>)
      %dma_wait3A = arith.constant 0 : i32
      %dma_wait3A_41 = tpu.memref_slice %arg6[%dma_wait3A] : memref<10000xf32, #tpu.memory_space<vmem>> -> memref<2000xf32, #tpu.memory_space<vmem>>
      %dma_wait3A_42 = arith.constant 0 : i32
      %dma_wait3A_43 = tpu.memref_slice %arg3[%run_scoped3A_26, %add3A, %dma_wait3A_42] : memref<5x32x2000xf32, #tpu.memory_space<hbm>> -> memref<1x1x2000xf32, #tpu.memory_space<hbm>>
      %dma_wait3A_44 = tpu.memref_squeeze %dma_wait3A_43 : memref<1x1x2000xf32, #tpu.memory_space<hbm>> -> memref<2000xf32, #tpu.memory_space<hbm>>
      %dma_wait3A_45 = arith.constant 0 : i32
      %dma_wait3A_46 = tpu.memref_slice %arg3[%run_scoped3A_26, %add3A, %dma_wait3A_45] : memref<5x32x2000xf32, #tpu.memory_space<hbm>> -> memref<1x1x2000xf32, #tpu.memory_space<hbm>>
      %dma_wait3A_47 = tpu.memref_squeeze %dma_wait3A_46 : memref<1x1x2000xf32, #tpu.memory_space<hbm>> -> memref<2000xf32, #tpu.memory_space<hbm>>
      %dma_wait3A_48 = arith.constant 0 : i32
      %dma_wait3A_49 = tpu.memref_slice %arg6[%dma_wait3A_48] : memref<10000xf32, #tpu.memory_space<vmem>> -> memref<2000xf32, #tpu.memory_space<vmem>>
      tpu.wait_dma2 semaphore(%run_scoped3A_31 : memref<!tpu.dma_semaphore, #tpu.memory_space<semaphore_mem>>) src(%dma_wait3A_49 : memref<2000xf32, #tpu.memory_space<vmem>>) dst(%dma_wait3A_47 : memref<2000xf32, #tpu.memory_space<hbm>>)
      tpu.yield
    }) : () -> ()
    %run_scoped3A_27 = arith.constant 1 : i32
    "tpu.region"() ({
      %run_scoped3A_31 = tpu.sem_alloc : memref<!tpu.dma_semaphore, #tpu.memory_space<semaphore_mem>>
      %dma_start3A = arith.constant 2000 : i32
      %dma_start3A_32 = tpu.memref_slice %arg6[%dma_start3A] : memref<10000xf32, #tpu.memory_space<vmem>> -> memref<2000xf32, #tpu.memory_space<vmem>>
      %dma_start3A_33 = arith.constant 0 : i32
      %dma_start3A_34 = tpu.memref_slice %arg3[%run_scoped3A_27, %add3A, %dma_start3A_33] : memref<5x32x2000xf32, #tpu.memory_space<hbm>> -> memref<1x1x2000xf32, #tpu.memory_space<hbm>>
      %dma_start3A_35 = tpu.memref_squeeze %dma_start3A_34 : memref<1x1x2000xf32, #tpu.memory_space<hbm>> -> memref<2000xf32, #tpu.memory_space<hbm>>
      %dma_start3A_36 = arith.constant 0 : i32
      %dma_start3A_37 = tpu.memref_slice %arg3[%run_scoped3A_27, %add3A, %dma_start3A_36] : memref<5x32x2000xf32, #tpu.memory_space<hbm>> -> memref<1x1x2000xf32, #tpu.memory_space<hbm>>
      %dma_start3A_38 = tpu.memref_squeeze %dma_start3A_37 : memref<1x1x2000xf32, #tpu.memory_space<hbm>> -> memref<2000xf32, #tpu.memory_space<hbm>>
      %dma_start3A_39 = arith.constant 2000 : i32
      %dma_start3A_40 = tpu.memref_slice %arg6[%dma_start3A_39] : memref<10000xf32, #tpu.memory_space<vmem>> -> memref<2000xf32, #tpu.memory_space<vmem>>
      tpu.enqueue_dma source(%dma_start3A_40 : memref<2000xf32, #tpu.memory_space<vmem>>) target(%dma_start3A_38 : memref<2000xf32, #tpu.memory_space<hbm>>) target_semaphore(%run_scoped3A_31 : memref<!tpu.dma_semaphore, #tpu.memory_space<semaphore_mem>>)
      %dma_wait3A = arith.constant 2000 : i32
      %dma_wait3A_41 = tpu.memref_slice %arg6[%dma_wait3A] : memref<10000xf32, #tpu.memory_space<vmem>> -> memref<2000xf32, #tpu.memory_space<vmem>>
      %dma_wait3A_42 = arith.constant 0 : i32
      %dma_wait3A_43 = tpu.memref_slice %arg3[%run_scoped3A_27, %add3A, %dma_wait3A_42] : memref<5x32x2000xf32, #tpu.memory_space<hbm>> -> memref<1x1x2000xf32, #tpu.memory_space<hbm>>
      %dma_wait3A_44 = tpu.memref_squeeze %dma_wait3A_43 : memref<1x1x2000xf32, #tpu.memory_space<hbm>> -> memref<2000xf32, #tpu.memory_space<hbm>>
      %dma_wait3A_45 = arith.constant 0 : i32
      %dma_wait3A_46 = tpu.memref_slice %arg3[%run_scoped3A_27, %add3A, %dma_wait3A_45] : memref<5x32x2000xf32, #tpu.memory_space<hbm>> -> memref<1x1x2000xf32, #tpu.memory_space<hbm>>
      %dma_wait3A_47 = tpu.memref_squeeze %dma_wait3A_46 : memref<1x1x2000xf32, #tpu.memory_space<hbm>> -> memref<2000xf32, #tpu.memory_space<hbm>>
      %dma_wait3A_48 = arith.constant 2000 : i32
      %dma_wait3A_49 = tpu.memref_slice %arg6[%dma_wait3A_48] : memref<10000xf32, #tpu.memory_space<vmem>> -> memref<2000xf32, #tpu.memory_space<vmem>>
      tpu.wait_dma2 semaphore(%run_scoped3A_31 : memref<!tpu.dma_semaphore, #tpu.memory_space<semaphore_mem>>) src(%dma_wait3A_49 : memref<2000xf32, #tpu.memory_space<vmem>>) dst(%dma_wait3A_47 : memref<2000xf32, #tpu.memory_space<hbm>>)
      tpu.yield
    }) : () -> ()
    %run_scoped3A_28 = arith.constant 2 : i32
    "tpu.region"() ({
      %run_scoped3A_31 = tpu.sem_alloc : memref<!tpu.dma_semaphore, #tpu.memory_space<semaphore_mem>>
      %dma_start3A = arith.constant 4000 : i32
      %dma_start3A_32 = tpu.memref_slice %arg6[%dma_start3A] : memref<10000xf32, #tpu.memory_space<vmem>> -> memref<2000xf32, #tpu.memory_space<vmem>>
      %dma_start3A_33 = arith.constant 0 : i32
      %dma_start3A_34 = tpu.memref_slice %arg3[%run_scoped3A_28, %add3A, %dma_start3A_33] : memref<5x32x2000xf32, #tpu.memory_space<hbm>> -> memref<1x1x2000xf32, #tpu.memory_space<hbm>>
      %dma_start3A_35 = tpu.memref_squeeze %dma_start3A_34 : memref<1x1x2000xf32, #tpu.memory_space<hbm>> -> memref<2000xf32, #tpu.memory_space<hbm>>
      %dma_start3A_36 = arith.constant 0 : i32
      %dma_start3A_37 = tpu.memref_slice %arg3[%run_scoped3A_28, %add3A, %dma_start3A_36] : memref<5x32x2000xf32, #tpu.memory_space<hbm>> -> memref<1x1x2000xf32, #tpu.memory_space<hbm>>
      %dma_start3A_38 = tpu.memref_squeeze %dma_start3A_37 : memref<1x1x2000xf32, #tpu.memory_space<hbm>> -> memref<2000xf32, #tpu.memory_space<hbm>>
      %dma_start3A_39 = arith.constant 4000 : i32
      %dma_start3A_40 = tpu.memref_slice %arg6[%dma_start3A_39] : memref<10000xf32, #tpu.memory_space<vmem>> -> memref<2000xf32, #tpu.memory_space<vmem>>
      tpu.enqueue_dma source(%dma_start3A_40 : memref<2000xf32, #tpu.memory_space<vmem>>) target(%dma_start3A_38 : memref<2000xf32, #tpu.memory_space<hbm>>) target_semaphore(%run_scoped3A_31 : memref<!tpu.dma_semaphore, #tpu.memory_space<semaphore_mem>>)
      %dma_wait3A = arith.constant 4000 : i32
      %dma_wait3A_41 = tpu.memref_slice %arg6[%dma_wait3A] : memref<10000xf32, #tpu.memory_space<vmem>> -> memref<2000xf32, #tpu.memory_space<vmem>>
      %dma_wait3A_42 = arith.constant 0 : i32
      %dma_wait3A_43 = tpu.memref_slice %arg3[%run_scoped3A_28, %add3A, %dma_wait3A_42] : memref<5x32x2000xf32, #tpu.memory_space<hbm>> -> memref<1x1x2000xf32, #tpu.memory_space<hbm>>
      %dma_wait3A_44 = tpu.memref_squeeze %dma_wait3A_43 : memref<1x1x2000xf32, #tpu.memory_space<hbm>> -> memref<2000xf32, #tpu.memory_space<hbm>>
      %dma_wait3A_45 = arith.constant 0 : i32
      %dma_wait3A_46 = tpu.memref_slice %arg3[%run_scoped3A_28, %add3A, %dma_wait3A_45] : memref<5x32x2000xf32, #tpu.memory_space<hbm>> -> memref<1x1x2000xf32, #tpu.memory_space<hbm>>
      %dma_wait3A_47 = tpu.memref_squeeze %dma_wait3A_46 : memref<1x1x2000xf32, #tpu.memory_space<hbm>> -> memref<2000xf32, #tpu.memory_space<hbm>>
      %dma_wait3A_48 = arith.constant 4000 : i32
      %dma_wait3A_49 = tpu.memref_slice %arg6[%dma_wait3A_48] : memref<10000xf32, #tpu.memory_space<vmem>> -> memref<2000xf32, #tpu.memory_space<vmem>>
      tpu.wait_dma2 semaphore(%run_scoped3A_31 : memref<!tpu.dma_semaphore, #tpu.memory_space<semaphore_mem>>) src(%dma_wait3A_49 : memref<2000xf32, #tpu.memory_space<vmem>>) dst(%dma_wait3A_47 : memref<2000xf32, #tpu.memory_space<hbm>>)
      tpu.yield
    }) : () -> ()
    %run_scoped3A_29 = arith.constant 3 : i32
    "tpu.region"() ({
      %run_scoped3A_31 = tpu.sem_alloc : memref<!tpu.dma_semaphore, #tpu.memory_space<semaphore_mem>>
      %dma_start3A = arith.constant 6000 : i32
      %dma_start3A_32 = tpu.memref_slice %arg6[%dma_start3A] : memref<10000xf32, #tpu.memory_space<vmem>> -> memref<2000xf32, #tpu.memory_space<vmem>>
      %dma_start3A_33 = arith.constant 0 : i32
      %dma_start3A_34 = tpu.memref_slice %arg3[%run_scoped3A_29, %add3A, %dma_start3A_33] : memref<5x32x2000xf32, #tpu.memory_space<hbm>> -> memref<1x1x2000xf32, #tpu.memory_space<hbm>>
      %dma_start3A_35 = tpu.memref_squeeze %dma_start3A_34 : memref<1x1x2000xf32, #tpu.memory_space<hbm>> -> memref<2000xf32, #tpu.memory_space<hbm>>
      %dma_start3A_36 = arith.constant 0 : i32
      %dma_start3A_37 = tpu.memref_slice %arg3[%run_scoped3A_29, %add3A, %dma_start3A_36] : memref<5x32x2000xf32, #tpu.memory_space<hbm>> -> memref<1x1x2000xf32, #tpu.memory_space<hbm>>
      %dma_start3A_38 = tpu.memref_squeeze %dma_start3A_37 : memref<1x1x2000xf32, #tpu.memory_space<hbm>> -> memref<2000xf32, #tpu.memory_space<hbm>>
      %dma_start3A_39 = arith.constant 6000 : i32
      %dma_start3A_40 = tpu.memref_slice %arg6[%dma_start3A_39] : memref<10000xf32, #tpu.memory_space<vmem>> -> memref<2000xf32, #tpu.memory_space<vmem>>
      tpu.enqueue_dma source(%dma_start3A_40 : memref<2000xf32, #tpu.memory_space<vmem>>) target(%dma_start3A_38 : memref<2000xf32, #tpu.memory_space<hbm>>) target_semaphore(%run_scoped3A_31 : memref<!tpu.dma_semaphore, #tpu.memory_space<semaphore_mem>>)
      %dma_wait3A = arith.constant 6000 : i32
      %dma_wait3A_41 = tpu.memref_slice %arg6[%dma_wait3A] : memref<10000xf32, #tpu.memory_space<vmem>> -> memref<2000xf32, #tpu.memory_space<vmem>>
      %dma_wait3A_42 = arith.constant 0 : i32
      %dma_wait3A_43 = tpu.memref_slice %arg3[%run_scoped3A_29, %add3A, %dma_wait3A_42] : memref<5x32x2000xf32, #tpu.memory_space<hbm>> -> memref<1x1x2000xf32, #tpu.memory_space<hbm>>
      %dma_wait3A_44 = tpu.memref_squeeze %dma_wait3A_43 : memref<1x1x2000xf32, #tpu.memory_space<hbm>> -> memref<2000xf32, #tpu.memory_space<hbm>>
      %dma_wait3A_45 = arith.constant 0 : i32
      %dma_wait3A_46 = tpu.memref_slice %arg3[%run_scoped3A_29, %add3A, %dma_wait3A_45] : memref<5x32x2000xf32, #tpu.memory_space<hbm>> -> memref<1x1x2000xf32, #tpu.memory_space<hbm>>
      %dma_wait3A_47 = tpu.memref_squeeze %dma_wait3A_46 : memref<1x1x2000xf32, #tpu.memory_space<hbm>> -> memref<2000xf32, #tpu.memory_space<hbm>>
      %dma_wait3A_48 = arith.constant 6000 : i32
      %dma_wait3A_49 = tpu.memref_slice %arg6[%dma_wait3A_48] : memref<10000xf32, #tpu.memory_space<vmem>> -> memref<2000xf32, #tpu.memory_space<vmem>>
      tpu.wait_dma2 semaphore(%run_scoped3A_31 : memref<!tpu.dma_semaphore, #tpu.memory_space<semaphore_mem>>) src(%dma_wait3A_49 : memref<2000xf32, #tpu.memory_space<vmem>>) dst(%dma_wait3A_47 : memref<2000xf32, #tpu.memory_space<hbm>>)
      tpu.yield
    }) : () -> ()
    %run_scoped3A_30 = arith.constant 4 : i32
    "tpu.region"() ({
      %run_scoped3A_31 = tpu.sem_alloc : memref<!tpu.dma_semaphore, #tpu.memory_space<semaphore_mem>>
      %dma_start3A = arith.constant 8000 : i32
      %dma_start3A_32 = tpu.memref_slice %arg6[%dma_start3A] : memref<10000xf32, #tpu.memory_space<vmem>> -> memref<2000xf32, #tpu.memory_space<vmem>>
      %dma_start3A_33 = arith.constant 0 : i32
      %dma_start3A_34 = tpu.memref_slice %arg3[%run_scoped3A_30, %add3A, %dma_start3A_33] : memref<5x32x2000xf32, #tpu.memory_space<hbm>> -> memref<1x1x2000xf32, #tpu.memory_space<hbm>>
      %dma_start3A_35 = tpu.memref_squeeze %dma_start3A_34 : memref<1x1x2000xf32, #tpu.memory_space<hbm>> -> memref<2000xf32, #tpu.memory_space<hbm>>
      %dma_start3A_36 = arith.constant 0 : i32
      %dma_start3A_37 = tpu.memref_slice %arg3[%run_scoped3A_30, %add3A, %dma_start3A_36] : memref<5x32x2000xf32, #tpu.memory_space<hbm>> -> memref<1x1x2000xf32, #tpu.memory_space<hbm>>
      %dma_start3A_38 = tpu.memref_squeeze %dma_start3A_37 : memref<1x1x2000xf32, #tpu.memory_space<hbm>> -> memref<2000xf32, #tpu.memory_space<hbm>>
      %dma_start3A_39 = arith.constant 8000 : i32
      %dma_start3A_40 = tpu.memref_slice %arg6[%dma_start3A_39] : memref<10000xf32, #tpu.memory_space<vmem>> -> memref<2000xf32, #tpu.memory_space<vmem>>
      tpu.enqueue_dma source(%dma_start3A_40 : memref<2000xf32, #tpu.memory_space<vmem>>) target(%dma_start3A_38 : memref<2000xf32, #tpu.memory_space<hbm>>) target_semaphore(%run_scoped3A_31 : memref<!tpu.dma_semaphore, #tpu.memory_space<semaphore_mem>>)
      %dma_wait3A = arith.constant 8000 : i32
      %dma_wait3A_41 = tpu.memref_slice %arg6[%dma_wait3A] : memref<10000xf32, #tpu.memory_space<vmem>> -> memref<2000xf32, #tpu.memory_space<vmem>>
      %dma_wait3A_42 = arith.constant 0 : i32
      %dma_wait3A_43 = tpu.memref_slice %arg3[%run_scoped3A_30, %add3A, %dma_wait3A_42] : memref<5x32x2000xf32, #tpu.memory_space<hbm>> -> memref<1x1x2000xf32, #tpu.memory_space<hbm>>
      %dma_wait3A_44 = tpu.memref_squeeze %dma_wait3A_43 : memref<1x1x2000xf32, #tpu.memory_space<hbm>> -> memref<2000xf32, #tpu.memory_space<hbm>>
      %dma_wait3A_45 = arith.constant 0 : i32
      %dma_wait3A_46 = tpu.memref_slice %arg3[%run_scoped3A_30, %add3A, %dma_wait3A_45] : memref<5x32x2000xf32, #tpu.memory_space<hbm>> -> memref<1x1x2000xf32, #tpu.memory_space<hbm>>
      %dma_wait3A_47 = tpu.memref_squeeze %dma_wait3A_46 : memref<1x1x2000xf32, #tpu.memory_space<hbm>> -> memref<2000xf32, #tpu.memory_space<hbm>>
      %dma_wait3A_48 = arith.constant 8000 : i32
      %dma_wait3A_49 = tpu.memref_slice %arg6[%dma_wait3A_48] : memref<10000xf32, #tpu.memory_space<vmem>> -> memref<2000xf32, #tpu.memory_space<vmem>>
      tpu.wait_dma2 semaphore(%run_scoped3A_31 : memref<!tpu.dma_semaphore, #tpu.memory_space<semaphore_mem>>) src(%dma_wait3A_49 : memref<2000xf32, #tpu.memory_space<vmem>>) dst(%dma_wait3A_47 : memref<2000xf32, #tpu.memory_space<hbm>>)
      tpu.yield
    }) : () -> ()
    return
  }
}

</mosaic_0001>

<sc_bundles>
// kernel: _degree_partials.3.cloned.1.call-start
scs
__scs_entry_jumppad:
0x0: {  	(pc) =	sbr.rel $0x88, $3  }
0x1: {  	(tag) =	ssettag $0x0;
	lr =	simm.s32 $0x1  }
0x2: {  	[smem:$0x3FA0] =	sst lr;
	_ =	strace $0xD0000000  }
0x3: {  	_ = 	snop  }
0x4: {  	_ = 	snop  }
0x5: {  	_ = 	snop  }
0x6: {  	_ = 	snop  }
0x7: {  	_ = 	snop  }
__scs_overlays_trampoline_lowered:
0x8: {  	[smem:$0x3FAF] =	sst s0  }
0x9: {  	[smem:$0x3FB0] =	sst s1  }
0xa: {  	[smem:$0x3FB1] =	sst s2  }
0xb: {  	[smem:$0x3FB2] =	sst s3  }
0xc: {  	[smem:$0x3FB3] =	sst s4  }
0xd: {  	[smem:$0x3FB4] =	sst s5  }
0xe: {  	[smem:$0x3FB5] =	sst s6  }
0xf: {  	[smem:$0x3FB6] =	sst s7  }
0x10: {  	[smem:$0x3FB7] =	sst s8  }
0x11: {  	[smem:$0x3FB8] =	sst s9;
	s0 =	simm.s32 @!p0 $0x0  }
0x12: {  	s1 =	sld [smem:$0x3F9E];
	s0 =	simm.s32 @p0 $0x1  }
0x13: {  	[smem:$0x3FB9] =	sst s0;
	s0 =	simm.s32 @!p1 $0x0  }
0x14: {  	s2 =	sld [smem:$0x3F9D];
	s0 =	simm.s32 @p1 $0x1  }
0x15: {  	[smem:$0x3FBA] =	sst s0;
	s0 =	simm.s32 @!p2 $0x0  }
0x16: {  	s3 =	sld [smem:$0x3FDB];
	s0 =	simm.s32 @p2 $0x1  }
0x17: {  	s4 =	simm.s32 $0x1BF5;
	[smem:$0x3FBC] =	sst s0  }
0x18: {  	s0 =	sld [smem:$0x3F9F];
	_ =	swait.ge [sflag:s4], $0x0  }
0x19: {  	s7 =	sld [smem:$0x3FA0]  }
0x1a: {  	s8 =	sadd.s32 $0xFFFFE003, lr  }
0x1b: {  	s9 =	sadd.s32 $0xFFFFFEF7, lr;
	s5 =	simm.s32 $0xFFFFFFFF;
	p2 =	slt.u32 s8, $0xFFFFF086  }
0x1c: {  	p1 =	slt.u32 s9, $0xF7A;
	s5 =	simm.s32 @!p2 $0x0  }
0x1d: {  	s5 =	simm.s32 @p1 $0x1;
	p0 =	seq.s32 s7, s2  }
0x1e: {  	s7 =	smul.u32 @!p0 $0xF7A, s2;
	p2 =	seq.s32 @!p0 s5, $0x0  }
0x1f: {  	s9 =	smul.u32 $0xF7A, s1;
	s8 =	simm.s32 @!p0 $0x1BF5;
	p2 =	por !p2, p0  }
0x20: {  	[sflag:s8] =	ssyncset.s32 @!p0 $0xFFFFF086;
	s6 =	sadd.s32 @!p0 s3, s7;
	s7 =	simm.s32 @!p0 $0x108  }
0x21: {  	s3 =	sadd.s32 s3, s9;
	s6 =	sadd.s32 @!p0 $0x88, s6;
	s7 =	simm.s32 @p2 $0x1082  }
0x22: {  	[simem:s7], [sflag:s8] =	dma.local @!p0 [hbm:s6], $0xF7A  }
0x23: {  	s9 =	sor.u32 $0xD0000000, s2;
	s6 =	simm.s32 $0x108;
	_ =	swait.ge @!p0 [sflag:s8], $0x0  }
0x24: {  	s3 =	sadd.s32 $0x88, s3;
	s6 =	simm.s32 @!p1 $0x1082;
	[sflag:s4] =	ssyncset.s32 $0xFFFFF086  }
0x25: {  	[simem:s6], [sflag:s4] =	dma.local [hbm:s3], $0xF7A  }
0x26: {  	[smem:$0x3FA0] =	sst s1;
	(tag) =	ssettag s2;
	_ =	strace s9  }
0x27: {  	s1 =	sld [smem:$0x3FB0]  }
0x28: {  	s2 =	sld [smem:$0x3FB1]  }
0x29: {  	s4 =	sld [smem:$0x3FB3]  }
0x2a: {  	p0 =	seq.s32 s5, $0x0;
	s5 =	sld [smem:$0x3FB4]  }
0x2b: {  	s6 =	sld [smem:$0x3FB5]  }
0x2c: {  	s7 =	sld [smem:$0x3FB6]  }
0x2d: {  	s3 =	simm.s32 $0x108;
	s8 =	sld [smem:$0x3FB7]  }
0x2e: {  	s3 =	simm.s32 @!p0 $0x1082;
	s9 =	sld [smem:$0x3FB8]  }
0x2f: {  	lr =	sadd.s32 s0, s3;
	s0 =	sld [smem:$0x3FAF]  }
0x30: {  	s3 =	sld [smem:$0x3FB2]  }
0x31: {  	[smem:$0x3FBB] =	sst s10  }
0x32: {  	s10 =	sld [smem:$0x3FB9];
	_ =	sdelay $0x3  }
0x33: {  	p0 =	seq.s32 s10, $0x1;
	s10 =	sld [smem:$0x3FBB];
	_ =	sdelay $0x3  }
0x34: {  	[smem:$0x3FBB] =	sst s10  }
0x35: {  	s10 =	sld [smem:$0x3FBA];
	_ =	sdelay $0x3  }
0x36: {  	p1 =	seq.s32 s10, $0x1;
	s10 =	sld [smem:$0x3FBB];
	_ =	sdelay $0x3  }
0x37: {  	[smem:$0x3FBB] =	sst s10  }
0x38: {  	s10 =	sld [smem:$0x3FBC]  }
0x39: {  	_ = 	snop;
	(pc) =	sbr.ind lr, $3  }
0x3a: {  	_ = 	snop  }
0x3b: {  	_ = 	snop  }
0x3c: {  	p2 =	seq.s32 s10, $0x1;
	s10 =	sld [smem:$0x3FBB]  }
0x3d: {  	_ =	shalt  }
0x3e: {  	_ =	shalt  }
0x3f: {  	_ =	shalt  }
0x40: {  	_ =	shalt  }
0x41: {  	_ =	shalt  }
0x42: {  	_ =	shalt  }
0x43: {  	_ =	shalt  }
0x44: {  	_ =	shalt  }
0x45: {  	_ =	shalt  }
0x46: {  	_ =	shalt  }
0x47: {  	_ =	shalt  }
0x48: {  	_ =	shalt  }
0x49: {  	_ =	shalt  }
0x4a: {  	_ =	shalt  }
0x4b: {  	_ =	shalt  }
0x4c: {  	_ =	shalt  }
0x4d: {  	_ =	shalt  }
0x4e: {  	_ =	shalt  }
0x4f: {  	_ =	shalt  }
0x50: {  	_ =	shalt  }
0x51: {  	_ =	shalt  }
0x52: {  	_ =	shalt  }
0x53: {  	_ =	shalt  }
0x54: {  	_ =	shalt  }
0x55: {  	_ =	shalt  }
0x56: {  	_ =	shalt  }
0x57: {  	_ =	shalt  }
0x58: {  	_ =	shalt  }
0x59: {  	_ =	shalt  }
0x5a: {  	_ =	shalt  }
0x5b: {  	_ =	shalt  }
0x5c: {  	_ =	shalt  }
0x5d: {  	_ =	shalt  }
0x5e: {  	_ =	shalt  }
0x5f: {  	_ =	shalt  }
0x60: {  	_ =	shalt  }
0x61: {  	_ =	shalt  }
0x62: {  	_ =	shalt  }
0x63: {  	_ =	shalt  }
0x64: {  	_ =	shalt  }
0x65: {  	_ =	shalt  }
0x66: {  	_ =	shalt  }
0x67: {  	_ =	shalt  }
0x68: {  	_ =	shalt  }
0x69: {  	_ =	shalt  }
0x6a: {  	_ =	shalt  }
0x6b: {  	_ =	shalt  }
0x6c: {  	_ =	shalt  }
0x6d: {  	_ =	shalt  }
0x6e: {  	_ =	shalt  }
0x6f: {  	_ =	shalt  }
0x70: {  	_ =	shalt  }
0x71: {  	_ =	shalt  }
0x72: {  	_ =	shalt  }
0x73: {  	_ =	shalt  }
0x74: {  	_ =	shalt  }
0x75: {  	_ =	shalt  }
0x76: {  	_ =	shalt  }
0x77: {  	_ =	shalt  }
0x78: {  	_ =	shalt  }
0x79: {  	_ =	shalt  }
0x7a: {  	_ =	shalt  }
0x7b: {  	_ =	shalt  }
0x7c: {  	_ =	shalt  }
0x7d: {  	_ =	shalt  }
0x7e: {  	_ =	shalt  }
0x7f: {  	_ =	shalt  }
0x80: {  	_ =	shalt  }
0x81: {  	_ =	shalt  }
0x82: {  	_ =	shalt  }
0x83: {  	_ =	shalt  }
0x84: {  	_ =	shalt  }
0x85: {  	_ =	shalt  }
0x86: {  	_ =	shalt  }
0x87: {  	_ =	shalt  }
.Lfunc_end0:
.L_simem_size_0:
called_computation_lowered:
.L_overlay_start_0:
0x88: {  	s2 =	sld [smem:$0x3FD9]  }
0x89: {  	s3 =	sld [smem:$0x3FFE];
	_ =	sdelay $0x1  }
0x8a: {  	s1 =	srdreg.scid  }
0x8b: {  	s0 =	sand.u32 $0x1, s1  }
0x8c: {  	s16 =	sshll.u32 s0, $0xA;
	s2 =	sadd.s32 s3, s2  }
0x8d: {  	s2 =	sadd.s32 s2, s16  }
0x8e: {  	[smem:$0x3FC7] =	sst s2  }
0x8f: {  	_ = 	snop  }
0x90: {  	(tm) =	ssettm $0x1  }
0x91: {  	s17 =	sld [smem:$0x3FFB];
	_ =	sdelay $0x3  }
0x92: {  	_ =	strace s17  }
0x93: {  	s2 =	sld [smem:$0x3FFC];
	_ =	sdelay $0x3  }
0x94: {  	_ =	strace s2  }
0x95: {  	s2 =	sld [smem:$0x3FFD];
	_ =	sdelay $0x3  }
0x96: {  	_ =	strace s2  }
0x97: {  	_ =	strace $0x8FFFFFFF  }
0x98: {  	s18 =	sld [smem:$0x3FDB];
	_ =	sdelay $0x1  }
0x99: {  	s19 =	simm.s32 $_scs_section_size  }
0x9a: {  	s4 =	simm.s32 $_size__tile_overlayer_lowered;
	s5 =	simm.s32 $_tile_overlayer_lowered  }
0x9b: {  	s22 =	simm.s32 $0x1BFF;
	s21 =	sshll.u32 s5, $0x1;
	s2 =	sadd.s32 s19, s18  }
0x9c: {  	s6 =	simm.s32 $0x0;
	s20 =	sshll.u32 s4, $0x1;
	s4 =	sadd.s32 s21, s2  }
0x9d: {  	[timem:s6], [sflag:s22] =	dma.local [hbm:s4], s20  }
0x9e: {  	_ =	swait.ge [sflag:s22], s20  }
0x9f: {  	s3 =	ssub.s32 $0x0, s20;
	[sflag:s22] =	ssyncset.done $0x0  }
0xa0: {  	[sflag:s22] =	ssyncadd.s32 s3;
	_ =	sdelay $0x1  }
0xa1: {  	s23 =	simm.s32 $0x1B8B  }
0xa2: {  	_ =	swait.ge [sflag:s23], $0x1  }
0xa3: {  	[sflag:s23] =	ssyncset.done $0x0  }
0xa4: {  	s25 =	simm.s32 $0x1B8E;
	s24 =	sld [smem:$0x3FFE];
	[sflag:s23] =	ssyncadd.s32 $0xFFFFFFFF  }
0xa5: {  	s26 =	simm.s32 $execute0_lowered;
	[smem:$0x3FD2] =	sst s25  }
0xa6: {  	s4 =	sshll.u32 s26, $0x1;
	_ =	strace $0x80000046;
	[dreg:$0x1] =	wrdreg $0xFFFFFFFF  }
0xa7: {  	s28 =	simm.s32 $_size_execute0_lowered;
	s2 =	sadd.s32 s2, s4;
	[dreg:$0x0] =	wrdreg $0x0  }
0xa8: {  	s4 =	sshll.u32 s28, $0x1;
	[dreg:$0x2] =	wrdreg s2  }
0xa9: {  	[dreg:$0x3] =	wrdreg s4  }
0xaa: {  	[dreg:$0x4] =	wrdreg $0xC0  }
0xab: {  	_ =	task [dreg:s6], $0x5FFFF  }
0xac: {  	[dreg:$0x1] =	wrdreg $0xFFFFFFFF  }
0xad: {  	[dreg:$0x0] =	wrdreg $0x60  }
0xae: {  	[dreg:$0x2] =	wrdreg s24  }
0xaf: {  	[dreg:$0x3] =	wrdreg $0x9  }
0xb0: {  	_ =	task.clear_ibuf [dreg:s6], $0x4FFFF;
	_ =	strace $0x90000046  }
0xb1: {  	s29 =	simm.s32 $0x9;
	_ =	strace $0x80000048  }
0xb2: {  	_ =	swait.ge [sflag:s29], $0x1  }
0xb3: {  	[sflag:s29] =	ssyncadd.s32 $0xFFFFFFFF  }
0xb4: {  	_ =	strace $0x90000048  }
0xb5: {  	_ =	sfence  }
0xb6: {  	s30 =	sld [smem:$0x0];
	_ =	sdelay $0x2  }
0xb7: {  	s31 =	sshll.u32 s1, $0xD;
	s1 =	sshrl.u32 s1, $0x2  }
0xb8: {  	s3 =	sand.u32 $0x4000, s31;
	s1 =	sadd.s32 s1, s30  }
0xb9: {  	s0 =	sor.u32 s3, s0;
	s1 =	sshll.u32 s1, $0x11  }
0xba: {  	s0 =	sor.u32 s1, s0  }
0xbb: {  	s0 =	sadd.s32 $0x8F2B, s0  }
0xbc: {  	[sflag:s0] =	ssyncadd.remote.s32 $0x1  }
0xbd: {  	_ =	sfence.sel $0xFFFF  }
0xbe: {  	[dreg:$0x0] =	wrdreg $0xFFFFFFFF;
	(pc) =	sbr.abs _section_cstart, $3  }
0xbf: {  	[dreg:$0x1] =	wrdreg $0xFFFFFFFF  }
0xc0: {  	_ =	task.clear_ibuf [dreg:s6], $0x2FFFF;
	_ =	strace $0x9FFFFFFF  }
0xc1: {  	(tm) =	ssettm $0x7FFFFFFF  }
tec
execute0_lowered:
.L_overlay_start_1:
0x0: {  	(tag) =	ssettag $0x1  }
0x1: {  	s0 =	srdreg.scid;
	s4 =	rddreg [dreg:$0x0]  }
0x2: {  	s2 =	simm.s32 $0x0;
	s12 =	simm.s32 $0x2780;
	s13 =	simm.s32 $0x2F50  }
0x3: {  	s14 =	simm.s32 $0x3720;
	s15 =	simm.s32 $0x3EF0;
	s3 =	sand.u32 $0x1, s0  }
0x4: {  	s16 =	simm.s32 $0x46C0;
	s0 =	stileid.u32;
	s1 =	sshll.u32 s3, $0x4  }
0x5: {  	s17 =	simm.s32 $0x0;
	[smem:$0x7FF] =	sst s2;
	s11 =	sor.u32 s0, s1  }
0x6: {  	s7 =	sadd.s32 $0x400, s4;
	s3 =	ssub.s32 $0x2, s3;
	s5 =	smul.u32 $0x7D0, s11  }
0x7: {  	s30 =	sshll.u32 s0, $0x4;
	s1 =	rddreg [dreg:$0x1];
	s6 =	smul.u32 $0x2700, s11  }
0x8: {  	_ =	strace $0x80000047;
	s29 =	sshrl.u32 s3, $0x1;
	s31 =	sadd.s32 s30, s7  }
0x9: {  	s10 =	ssub.s32 s3, s29;
	s5 =	sshrl.u32 s5, $0x3;
	s28 =	sshrl.u32 s6, $0x3  }
0xa: {  	p0 =	sgt.u32 s11, $0x3;
	s9 =	sadd.s32 s5, s4;
	s4 =	sadd.s32 s7, s28  }
0xb: {  	s11 =	simm.s32 $0x1;
	s10 =	smax.u32 s10, $0x1;
	s3 =	sadd.s32 $0x9C40, s4  }
0xc: {  	s4 =	sadd.s32 $0x13840, s31;
	s5 =	sadd.s32 $0x13E00, s9;
	s6 =	sadd.s32 $0x15D40, s9  }
0xd: {  	v0 =	vimm.f32 $0.0e+00;
	v1 =	vimm.f32 $1.000000000e+00;
	s7 =	sadd.s32 $0x17C80, s9;
	s8 =	sadd.s32 $0x19BC0, s9;
	s9 =	sadd.s32 $0x1BB00, s9  }
.LBB2_1:
0xe: {  	[tilespmem:s2], [sflag:$0x1] =	stream.linear.gather [hbm4b:s3+s2], $0x2700, $0x38;
	[tilespmem:$0x4E90] =	vst v63  }
0xf: {  	_ =	swait.ge [sflag:s11], $0x2700  }
0x10: {  	[sflag:s11] =	ssyncset.done $0x0  }
0x11: {  	s18 =	simm.s32 @!p0 $0x0;
	s19 =	simm.s32 @!p0 $0x2700;
	[sflag:s11] =	ssyncadd.s32 $0xFFFFD900  }
0x12: {  	[tilespmem:s19], [sflag:$0x1] =	stream.linear.gather @!p0 [hbm4b:s4+s18], $0x80, $0x38;
	[tilespmem:$0x4E90] =	vst v63  }
0x13: {  	s18 =	simm.s32 @!p0 $0x1  }
0x14: {  	_ =	swait.ge @!p0 [sflag:s18], $0x80  }
0x15: {  	[sflag:s18] =	ssyncset.done @!p0 $0x0  }
0x16: {  	[sflag:s18] =	ssyncadd.s32 @!p0 $0xFFFFFF80;
	s18 =	simm.s32 $0x0  }
.LBB2_2:
0x17: {  	p1 =	sne.s32 s18, $0x9C00  }
.Ltmp0:
0x18: {  	_ = 	snop;
	(pc) =	sbr.rel @p1 .LBB2_2-.Ltmp0, $3  }
0x19: {  	_ =	sdelay $0x1  }
0x1a: {  	s19 =	sshra.s32 s18, $0x2  }
0x1b: {  	s18 =	sadd.s32 $0x40, s18;
	[tilespmem:s19+$0x2780] =	vst v0  }
0x1c: {  	s18 =	simm.s32 $0x0  }
.LBB2_4:
0x1d: {  	s19 =	sshra.s32 s18, $0x2  }
0x1e: {  	v2 =	vld [tilespmem:s19+$0x0];
	_ =	sdelay $0x7  }
0x1f: {  	[tilespmem:v2+s12+$0x0] =	vst.idx.add.f32.msk $0xffff, v1  }
0x20: {  	v2 =	vld [tilespmem:s19+$0x10];
	_ =	sdelay $0x7  }
0x21: {  	[tilespmem:v2+s12+$0x0] =	vst.idx.add.f32.msk $0xffff, v1  }
0x22: {  	v2 =	vld [tilespmem:s19+$0x20];
	_ =	sdelay $0x7  }
0x23: {  	[tilespmem:v2+s12+$0x0] =	vst.idx.add.f32.msk $0xffff, v1  }
0x24: {  	v2 =	vld [tilespmem:s19+$0x30];
	_ =	sdelay $0x7  }
0x25: {  	[tilespmem:v2+s12+$0x0] =	vst.idx.add.f32.msk $0xffff, v1  }
0x26: {  	v2 =	vld [tilespmem:s19+$0x40];
	_ =	sdelay $0x7  }
0x27: {  	[tilespmem:v2+s12+$0x0] =	vst.idx.add.f32.msk $0xffff, v1  }
0x28: {  	v2 =	vld [tilespmem:s19+$0x50];
	_ =	sdelay $0x7  }
0x29: {  	[tilespmem:v2+s12+$0x0] =	vst.idx.add.f32.msk $0xffff, v1  }
0x2a: {  	v2 =	vld [tilespmem:s19+$0x60];
	_ =	sdelay $0x7  }
0x2b: {  	[tilespmem:v2+s12+$0x0] =	vst.idx.add.f32.msk $0xffff, v1  }
0x2c: {  	v2 =	vld [tilespmem:s19+$0x70];
	_ =	sdelay $0x2  }
0x2d: {  	p1 =	sne.s32 s18, $0x9A00  }
.Ltmp1:
0x2e: {  	_ = 	snop;
	(pc) =	sbr.rel @p1 .LBB2_4-.Ltmp1, $2  }
0x2f: {  	_ =	sdelay $0x2  }
0x30: {  	s18 =	sadd.s32 $0x200, s18;
	[tilespmem:v2+s12+$0x0] =	vst.idx.add.f32.msk $0xffff, v1  }
0x31: {  	v2 =	vld @!p0 [tilespmem:$0x2700];
	_ =	sdelay $0x6  }
0x32: {  	v3 =	vimm.f32 @!p0 $1.000000000e+00;
	s18 =	simm.s32 @!p0 $0x2780  }
0x33: {  	[tilespmem:v2+s18+$0x0] =	vst.idx.add.f32.msk @!p0 $0xffff, v3  }
0x34: {  	v2 =	vld @!p0 [tilespmem:$0x2710];
	_ =	sdelay $0x7  }
0x35: {  	[tilespmem:v2+s18+$0x0] =	vst.idx.add.f32.msk @!p0 $0xffff, v3  }
0x36: {  	v2 =	vld @!p0 [tilespmem:$0x2720];
	_ =	sdelay $0x7  }
0x37: {  	[tilespmem:v2+s18+$0x0] =	vst.idx.add.f32.msk @!p0 $0xffff, v3  }
0x38: {  	v2 =	vld @!p0 [tilespmem:$0x2730];
	_ =	sdelay $0x7  }
0x39: {  	[tilespmem:v2+s18+$0x0] =	vst.idx.add.f32.msk @!p0 $0xffff, v3  }
0x3a: {  	v2 =	vld @!p0 [tilespmem:$0x2740];
	_ =	sdelay $0x7  }
0x3b: {  	[tilespmem:v2+s18+$0x0] =	vst.idx.add.f32.msk @!p0 $0xffff, v3  }
0x3c: {  	v2 =	vld @!p0 [tilespmem:$0x2750];
	_ =	sdelay $0x7  }
0x3d: {  	[tilespmem:v2+s18+$0x0] =	vst.idx.add.f32.msk @!p0 $0xffff, v3  }
0x3e: {  	v2 =	vld @!p0 [tilespmem:$0x2760];
	_ =	sdelay $0x7  }
0x3f: {  	[tilespmem:v2+s18+$0x0] =	vst.idx.add.f32.msk @!p0 $0xffff, v3  }
0x40: {  	v2 =	vld @!p0 [tilespmem:$0x2770];
	_ =	sdelay $0x7  }
0x41: {  	[tilespmem:v2+s18+$0x0] =	vst.idx.add.f32.msk @!p0 $0xffff, v3  }
0x42: {  	[hbm4b:s5+s2] =	stream.linear.scatter [tilespmem:s12], [sflag:$0x1], $0x7D0, $0x38;
	[tilespmem:$0x4E90] =	vst v63  }
0x43: {  	_ =	swait.ge [sflag:s11], $0x7D0  }
0x44: {  	[sflag:s11] =	ssyncset.done $0x0  }
0x45: {  	[sflag:s11] =	ssyncadd.s32 $0xFFFFF830  }
0x46: {  	[hbm4b:s6+s2] =	stream.linear.scatter [tilespmem:s13], [sflag:$0x1], $0x7D0, $0x38;
	[tilespmem:$0x4E90] =	vst v63  }
0x47: {  	_ =	swait.ge [sflag:s11], $0x7D0  }
0x48: {  	[sflag:s11] =	ssyncset.done $0x0  }
0x49: {  	[sflag:s11] =	ssyncadd.s32 $0xFFFFF830  }
0x4a: {  	[hbm4b:s7+s2] =	stream.linear.scatter [tilespmem:s14], [sflag:$0x1], $0x7D0, $0x38;
	[tilespmem:$0x4E90] =	vst v63  }
0x4b: {  	_ =	swait.ge [sflag:s11], $0x7D0  }
0x4c: {  	[sflag:s11] =	ssyncset.done $0x0  }
0x4d: {  	[sflag:s11] =	ssyncadd.s32 $0xFFFFF830  }
0x4e: {  	[hbm4b:s8+s2] =	stream.linear.scatter [tilespmem:s15], [sflag:$0x1], $0x7D0, $0x38;
	[tilespmem:$0x4E90] =	vst v63  }
0x4f: {  	s17 =	sadd.s32 $0x1, s17;
	_ =	swait.ge [sflag:s11], $0x7D0  }
0x50: {  	p1 =	sne.s32 s17, s10;
	[sflag:s11] =	ssyncset.done $0x0  }
.Ltmp2:
0x51: {  	[sflag:s11] =	ssyncadd.s32 $0xFFFFF830;
	(pc) =	sbr.rel @p1 .LBB2_1-.Ltmp2, $4  }
0x52: {  	[hbm4b:s9+s2] =	stream.linear.scatter [tilespmem:s16], [sflag:$0x1], $0x7D0, $0x38;
	[tilespmem:$0x4E90] =	vst v63  }
0x53: {  	_ =	swait.ge [sflag:s11], $0x7D0  }
0x54: {  	[sflag:s11] =	ssyncset.done $0x0  }
0x55: {  	[sflag:s11] =	ssyncadd.s32 $0xFFFFF830  }
0x56: {  	_ =	sfence.sel $0x180000  }
0x57: {  	[bflag:$0x0] =	sbarrier.arrive $0xFFFF  }
0x58: {  	p0 =	sne.s32 s0, $0x0;
	_ =	strace $0x90000047  }
0x59: {  	s0 =	sadd.s32 @!p0 $0x100000, s1;
	[bflag:$0x2] =	sbarrier.arrive $0xFFFF  }
0x5a: {  	[sflag:s0] =	ssyncadd.tile.s32 @!p0 $0x1;
	_ =	shalt  }
.Lfunc_end2:
_tile_overlayer_lowered:
.L_overlay_start_2:
0x5b: {  	(tag) =	ssettag $0x2  }
0x5c: {  	s0 =	rddreg [dreg:$0x0];
	s2 =	stileid.u32  }
0x5d: {  	s1 =	rddreg [dreg:$0x1];
	p0 =	sne.s32 s2, $0x0  }
0x5e: {  	s3 =	rddreg [dreg:$0x2];
	[bflag:$0x3] =	sbarrier.arrive $0xFFFF;
	s2 =	simm.s32 @!p0 $0x1C01  }
0x5f: {  	[timem:s3], [sflag:s2] =	dma.local @!p0 [hbm:s0], s1  }
0x60: {  	s0 =	simm.s32 @!p0 $0x1  }
0x61: {  	_ =	swait.ge @!p0 [sflag:s0], s1  }
0x62: {  	s1 =	ssub.s32 @!p0 $0x0, s1;
	[sflag:s0] =	ssyncset.done @!p0 $0x0  }
0x63: {  	[sflag:s0] =	ssyncadd.s32 @!p0 s1  }
0x64: {  	[bflag:$0x3] =	sbarrier.arrive $0xFFFF  }
0x65: {  	_ =	shalt  }

</sc_bundles>
